<compile_context>
chip_gen: v7x
topology: tpu7x:2x2x1
jax: 0.10.2.dev20260603
libtpu: 0.0.44.dev20260713+nightly
codegen_flags: <defaults>
</compile_context>

<pallas_src>
import functools

import jax
import jax.numpy as jnp
from jax import lax
from jax.experimental import pallas as pl
from jax.experimental.pallas import tpu as pltpu
from jax.experimental.pallas import tpu_sc as plsc

_TOP_K = 8
_ROWS_PER_BLOCK = 1024


def _matmul_body(x_ref, w_ref, b_ref, logits_ref):
    logits_ref[...] = jnp.dot(
        x_ref[...], w_ref[...],
        preferred_element_type=jnp.float32) + b_ref[...]


def _tc_logits(x, W, b2):
    m, k = x.shape
    n = W.shape[1]
    r = _ROWS_PER_BLOCK
    return pl.pallas_call(
        _matmul_body,
        grid=(m // r,),
        in_specs=[
            pl.BlockSpec((r, k), lambda i: (i, 0)),
            pl.BlockSpec((k, n), lambda i: (0, 0)),
            pl.BlockSpec((1, n), lambda i: (0, 0)),
        ],
        out_specs=pl.BlockSpec((r, n), lambda i: (i, 0)),
        out_shape=jax.ShapeDtypeStruct((m, n), jnp.float32),
        compiler_params=pltpu.CompilerParams(
            dimension_semantics=("arbitrary",),
        ),
    )(x, W, b2)


def _merge_desc(ak, av, bk, bv):
    rbk = lax.rev(bk, (0,))
    rbv = lax.rev(bv, (0,))
    take = ak >= rbk
    hk = jnp.where(take, ak, rbk)
    hv = jnp.where(take, av, rbv)
    return plsc.sort_key_val(hk, hv, descending=True)


def _sc_topk(logits):
    m, n = logits.shape
    info = plsc.get_sparse_core_info()
    nw = info.num_cores * info.num_subcores
    rows = m // nw
    mesh = plsc.VectorSubcoreMesh(core_axis_name="c", subcore_axis_name="s")

    @functools.partial(
        pl.kernel, mesh=mesh,
        out_type=[
            jax.ShapeDtypeStruct((m * _TOP_K,), jnp.float32),
            jax.ShapeDtypeStruct((m * _TOP_K,), jnp.int32),
        ],
        scratch_types=[
            pltpu.VMEM((rows, n), jnp.float32),
            pltpu.VMEM((rows * _TOP_K + 8,), jnp.float32),
            pltpu.VMEM((rows * _TOP_K + 8,), jnp.int32),
        ],
        compiler_params=pltpu.CompilerParams(needs_layout_passes=False),
    )
    def k(logits_hbm, gates_hbm, idx_hbm, lg_v, g_v, i_v):
        wid = lax.axis_index("s") * info.num_cores + lax.axis_index("c")
        base = wid * rows
        pltpu.sync_copy(logits_hbm.at[pl.ds(base, rows), :], lg_v)

        lane = jnp.arange(16, dtype=jnp.int32)
        low8 = lane < _TOP_K

        def body(r, carry):
            ks = []
            vs = []
            for j in range(n // 16):
                vj = lg_v[r, pl.ds(j * 16, 16)]
                ij = lane + (j * 16)
                sk, sv = plsc.sort_key_val(vj, ij, descending=True)
                ks.append(sk)
                vs.append(sv)
            k01, v01 = _merge_desc(ks[0], vs[0], ks[1], vs[1])
            k23, v23 = _merge_desc(ks[2], vs[2], ks[3], vs[3])
            tk, tv = _merge_desc(k01, v01, k23, v23)
            mx = jnp.max(tk)
            e = jnp.exp(tk - mx)
            e = jnp.where(low8, e, jnp.float32(0.0))
            s = jnp.sum(e)
            plsc.store_compressed(g_v.at[pl.ds(r * _TOP_K, 16)], e / s, mask=low8)
            plsc.store_compressed(i_v.at[pl.ds(r * _TOP_K, 16)], tv, mask=low8)
            return carry

        lax.fori_loop(0, rows, body, 0)

        pltpu.sync_copy(g_v.at[pl.ds(0, rows * _TOP_K)],
                        gates_hbm.at[pl.ds(base * _TOP_K, rows * _TOP_K)])
        pltpu.sync_copy(i_v.at[pl.ds(0, rows * _TOP_K)],
                        idx_hbm.at[pl.ds(base * _TOP_K, rows * _TOP_K)])

    return k(logits)


def kernel(x, W, b):
    n = W.shape[1]
    b2 = b.reshape(1, n)
    logits = _tc_logits(x, W, b2)
    gates_flat, idx_flat = _sc_topk(logits)
    m = x.shape[0]
    return (gates_flat.reshape(m, _TOP_K), idx_flat.reshape(m, _TOP_K))

# --- scband reference (transcript-rebuilt; emitter-appended) ---
"""Pipeline reference for scband-gating-network-21260088115990 (READ-ONLY COPY).

The authoritative reference and input builder live on the scoring server;
editing this copy changes nothing except your own understanding.
"""

import jax, jax.numpy as jnp
import numpy as np

TOP_K = 8

def setup_inputs(seed: int = 0) -> dict:
    key = jax.random.key(seed)
    k1, k2 = jax.random.split(key, 2)
    x = jax.random.normal(k1, (16384, 4096), dtype=jnp.float32)
    # nn.Linear(input_dim=4096, num_experts=64): weight [64, 4096], bias [64]
    W = jax.random.normal(k2, (4096, 64), dtype=jnp.float32) * 0.02
    b = jnp.zeros((64,), dtype=jnp.float32)
    return {"x": x, "W": W, "b": b}

def reference(x, W, b):
    gate_logits = x @ W + b
    top_k_gates, top_k_indices = jax.lax.top_k(gate_logits, TOP_K)
    top_k_gates = jax.nn.softmax(top_k_gates, axis=-1)
    return (top_k_gates, top_k_indices)

if __name__ == "__main__":
    import jax
    _d = setup_inputs()
    print(jax.jit(kernel)(*tuple(_d.values())))

</pallas_src>

<mosaic_0001>
#map = affine_map<(d0, d1) -> (0, 0)>
#map1 = affine_map<(d0, d1) -> (0)>
module attributes {stable_mosaic.version = 14 : i64} {
  func.func @k(%arg0: i32, %arg1: i32, %arg2: memref<16384x64xf32, #tpu.memory_space<hbm>>, %arg3: memref<131072xf32, #tpu.memory_space<hbm>>, %arg4: memref<131072xi32, #tpu.memory_space<hbm>>, %arg5: memref<512x64xf32, #tpu.memory_space<vmem>>, %arg6: memref<4104xf32, #tpu.memory_space<vmem>>, %arg7: memref<4104xi32, #tpu.memory_space<vmem>>) attributes {dimension_semantics = [#tpu.dimension_semantics<core_parallel>, #tpu.dimension_semantics<subcore_parallel>], iteration_bounds = array<i64: 2, 16>, scalar_prefetch = 0 : i64, scratch_operands = 3 : i64, tpu.core_type = #tpu.core_type<sc_vector_subcore>, window_params = [{transform_indices = #map}, {transform_indices = #map1}, {transform_indices = #map1}]} {
    %mul3A = arith.constant 2 : i32
    %mul3A_0 = arith.muli %arg1, %mul3A : i32
    %add3A = arith.addi %mul3A_0, %arg0 : i32
    %mul3A_1 = arith.constant 512 : i32
    %mul3A_2 = arith.muli %add3A, %mul3A_1 : i32
    "tpu.region"() ({
      %run_scoped3A = tpu.sem_alloc : memref<!tpu.dma_semaphore, #tpu.memory_space<semaphore_mem>>
      %dma_start3A = arith.constant 0 : i32
      %dma_start3A_14 = tpu.memref_slice %arg2[%mul3A_2, %dma_start3A] : memref<16384x64xf32, #tpu.memory_space<hbm>> -> memref<512x64xf32, #tpu.memory_space<hbm>>
      %dma_start3A_15 = arith.constant 0 : i32
      %dma_start3A_16 = tpu.memref_slice %arg2[%mul3A_2, %dma_start3A_15] : memref<16384x64xf32, #tpu.memory_space<hbm>> -> memref<512x64xf32, #tpu.memory_space<hbm>>
      tpu.enqueue_dma source(%dma_start3A_16 : memref<512x64xf32, #tpu.memory_space<hbm>>) target(%arg5 : memref<512x64xf32, #tpu.memory_space<vmem>>) target_semaphore(%run_scoped3A : memref<!tpu.dma_semaphore, #tpu.memory_space<semaphore_mem>>)
      %dma_wait3A = arith.constant 0 : i32
      %dma_wait3A_17 = tpu.memref_slice %arg2[%mul3A_2, %dma_wait3A] : memref<16384x64xf32, #tpu.memory_space<hbm>> -> memref<512x64xf32, #tpu.memory_space<hbm>>
      %dma_wait3A_18 = arith.constant 0 : i32
      %dma_wait3A_19 = tpu.memref_slice %arg2[%mul3A_2, %dma_wait3A_18] : memref<16384x64xf32, #tpu.memory_space<hbm>> -> memref<512x64xf32, #tpu.memory_space<hbm>>
      tpu.wait_dma2 semaphore(%run_scoped3A : memref<!tpu.dma_semaphore, #tpu.memory_space<semaphore_mem>>) src(%dma_wait3A_19 : memref<512x64xf32, #tpu.memory_space<hbm>>) dst(%arg5 : memref<512x64xf32, #tpu.memory_space<vmem>>)
      tpu.yield
    }) : () -> ()
    %iota3A = tpu.iota {dimensions = array<i32: 0>} : vector<16xi32>
    %lt3A = arith.constant 8 : i32
    %lt3A_3 = vector.broadcast %lt3A : i32 to vector<16xi32>
    %lt3A_4 = arith.cmpi slt, %iota3A, %lt3A_3 : vector<16xi32>
    %scan3A = arith.constant 0 : i32
    %scan3A_5 = arith.constant 0 : i32
    %scan3A_6 = arith.constant 512 : i32
    %scan3A_7 = arith.addi %scan3A_5, %scan3A_6 : i32
    %scan3A_8 = arith.constant 1 : i32
    scf.for %scan3A_14 = %scan3A_5 to %scan3A_7 step %scan3A_8  : i32 {
      %get3A = arith.index_cast %scan3A_14 : i32 to index
      %get3A_15 = arith.constant 0 : index
      %get3A_16 = tpu.vector_load %arg5[%get3A, %get3A_15] {strides = array<i32>} : memref<512x64xf32, #tpu.memory_space<vmem>>, vector<16xf32>,
      %add3A_17 = arith.constant 0 : i32
      %add3A_18 = vector.broadcast %add3A_17 : i32 to vector<16xi32>
      %add3A_19 = arith.addi %iota3A, %add3A_18 : vector<16xi32>
      %masked_sort3A = arith.constant dense<true> : vector<16xi1>
      %masked_sort3A_20, %masked_sort3A_21, %masked_sort3A_22 = tpu.sort %get3A_16, %add3A_19 masked %masked_sort3A {descending = true} : (vector<16xf32>, vector<16xi32>, vector<16xi1>) -> (vector<16xi1>, vector<16xf32>, vector<16xi32>)
      %get3A_23 = arith.index_cast %scan3A_14 : i32 to index
      %get3A_24 = arith.constant 16 : index
      %get3A_25 = tpu.vector_load %arg5[%get3A_23, %get3A_24] {strides = array<i32>} : memref<512x64xf32, #tpu.memory_space<vmem>>, vector<16xf32>,
      %add3A_26 = arith.constant 16 : i32
      %add3A_27 = vector.broadcast %add3A_26 : i32 to vector<16xi32>
      %add3A_28 = arith.addi %iota3A, %add3A_27 : vector<16xi32>
      %masked_sort3A_29 = arith.constant dense<true> : vector<16xi1>
      %masked_sort3A_30, %masked_sort3A_31, %masked_sort3A_32 = tpu.sort %get3A_25, %add3A_28 masked %masked_sort3A_29 {descending = true} : (vector<16xf32>, vector<16xi32>, vector<16xi1>) -> (vector<16xi1>, vector<16xf32>, vector<16xi32>)
      %get3A_33 = arith.index_cast %scan3A_14 : i32 to index
      %get3A_34 = arith.constant 32 : index
      %get3A_35 = tpu.vector_load %arg5[%get3A_33, %get3A_34] {strides = array<i32>} : memref<512x64xf32, #tpu.memory_space<vmem>>, vector<16xf32>,
      %add3A_36 = arith.constant 32 : i32
      %add3A_37 = vector.broadcast %add3A_36 : i32 to vector<16xi32>
      %add3A_38 = arith.addi %iota3A, %add3A_37 : vector<16xi32>
      %masked_sort3A_39 = arith.constant dense<true> : vector<16xi1>
      %masked_sort3A_40, %masked_sort3A_41, %masked_sort3A_42 = tpu.sort %get3A_35, %add3A_38 masked %masked_sort3A_39 {descending = true} : (vector<16xf32>, vector<16xi32>, vector<16xi1>) -> (vector<16xi1>, vector<16xf32>, vector<16xi32>)
      %get3A_43 = arith.index_cast %scan3A_14 : i32 to index
      %get3A_44 = arith.constant 48 : index
      %get3A_45 = tpu.vector_load %arg5[%get3A_43, %get3A_44] {strides = array<i32>} : memref<512x64xf32, #tpu.memory_space<vmem>>, vector<16xf32>,
      %add3A_46 = arith.constant 48 : i32
      %add3A_47 = vector.broadcast %add3A_46 : i32 to vector<16xi32>
      %add3A_48 = arith.addi %iota3A, %add3A_47 : vector<16xi32>
      %masked_sort3A_49 = arith.constant dense<true> : vector<16xi1>
      %masked_sort3A_50, %masked_sort3A_51, %masked_sort3A_52 = tpu.sort %get3A_45, %add3A_48 masked %masked_sort3A_49 {descending = true} : (vector<16xf32>, vector<16xi32>, vector<16xi1>) -> (vector<16xi1>, vector<16xf32>, vector<16xi32>)
      %rev3A = arith.constant 15 : i32
      %rev3A_53 = vector.broadcast %rev3A : i32 to vector<16xi32>
      %rev3A_54 = tpu.iota {dimensions = array<i32: 0>} : vector<16xi32>
      %rev3A_55 = arith.subi %rev3A_53, %rev3A_54 : vector<16xi32>
      %rev3A_56 = tpu.dynamic_gather %masked_sort3A_31[%rev3A_55] in [0] : vector<16xf32>, vector<16xi32> -> vector<16xf32>
      %rev3A_57 = arith.constant 15 : i32
      %rev3A_58 = vector.broadcast %rev3A_57 : i32 to vector<16xi32>
      %rev3A_59 = tpu.iota {dimensions = array<i32: 0>} : vector<16xi32>
      %rev3A_60 = arith.subi %rev3A_58, %rev3A_59 : vector<16xi32>
      %rev3A_61 = tpu.dynamic_gather %masked_sort3A_32[%rev3A_60] in [0] : vector<16xi32>, vector<16xi32> -> vector<16xi32>
      %ge3A = arith.cmpf oge, %masked_sort3A_21, %rev3A_56 : vector<16xf32>
      %select_n3A = arith.select %ge3A, %masked_sort3A_21, %rev3A_56 : vector<16xi1>, vector<16xf32>
      %select_n3A_62 = arith.select %ge3A, %masked_sort3A_22, %rev3A_61 : vector<16xi1>, vector<16xi32>
      %masked_sort3A_63 = arith.constant dense<true> : vector<16xi1>
      %masked_sort3A_64, %masked_sort3A_65, %masked_sort3A_66 = tpu.sort %select_n3A, %select_n3A_62 masked %masked_sort3A_63 {descending = true} : (vector<16xf32>, vector<16xi32>, vector<16xi1>) -> (vector<16xi1>, vector<16xf32>, vector<16xi32>)
      %rev3A_67 = arith.constant 15 : i32
      %rev3A_68 = vector.broadcast %rev3A_67 : i32 to vector<16xi32>
      %rev3A_69 = tpu.iota {dimensions = array<i32: 0>} : vector<16xi32>
      %rev3A_70 = arith.subi %rev3A_68, %rev3A_69 : vector<16xi32>
      %rev3A_71 = tpu.dynamic_gather %masked_sort3A_51[%rev3A_70] in [0] : vector<16xf32>, vector<16xi32> -> vector<16xf32>
      %rev3A_72 = arith.constant 15 : i32
      %rev3A_73 = vector.broadcast %rev3A_72 : i32 to vector<16xi32>
      %rev3A_74 = tpu.iota {dimensions = array<i32: 0>} : vector<16xi32>
      %rev3A_75 = arith.subi %rev3A_73, %rev3A_74 : vector<16xi32>
      %rev3A_76 = tpu.dynamic_gather %masked_sort3A_52[%rev3A_75] in [0] : vector<16xi32>, vector<16xi32> -> vector<16xi32>
      %ge3A_77 = arith.cmpf oge, %masked_sort3A_41, %rev3A_71 : vector<16xf32>
      %select_n3A_78 = arith.select %ge3A_77, %masked_sort3A_41, %rev3A_71 : vector<16xi1>, vector<16xf32>
      %select_n3A_79 = arith.select %ge3A_77, %masked_sort3A_42, %rev3A_76 : vector<16xi1>, vector<16xi32>
      %masked_sort3A_80 = arith.constant dense<true> : vector<16xi1>
      %masked_sort3A_81, %masked_sort3A_82, %masked_sort3A_83 = tpu.sort %select_n3A_78, %select_n3A_79 masked %masked_sort3A_80 {descending = true} : (vector<16xf32>, vector<16xi32>, vector<16xi1>) -> (vector<16xi1>, vector<16xf32>, vector<16xi32>)
      %rev3A_84 = arith.constant 15 : i32
      %rev3A_85 = vector.broadcast %rev3A_84 : i32 to vector<16xi32>
      %rev3A_86 = tpu.iota {dimensions = array<i32: 0>} : vector<16xi32>
      %rev3A_87 = arith.subi %rev3A_85, %rev3A_86 : vector<16xi32>
      %rev3A_88 = tpu.dynamic_gather %masked_sort3A_82[%rev3A_87] in [0] : vector<16xf32>, vector<16xi32> -> vector<16xf32>
      %rev3A_89 = arith.constant 15 : i32
      %rev3A_90 = vector.broadcast %rev3A_89 : i32 to vector<16xi32>
      %rev3A_91 = tpu.iota {dimensions = array<i32: 0>} : vector<16xi32>
      %rev3A_92 = arith.subi %rev3A_90, %rev3A_91 : vector<16xi32>
      %rev3A_93 = tpu.dynamic_gather %masked_sort3A_83[%rev3A_92] in [0] : vector<16xi32>, vector<16xi32> -> vector<16xi32>
      %ge3A_94 = arith.cmpf oge, %masked_sort3A_65, %rev3A_88 : vector<16xf32>
      %select_n3A_95 = arith.select %ge3A_94, %masked_sort3A_65, %rev3A_88 : vector<16xi1>, vector<16xf32>
      %select_n3A_96 = arith.select %ge3A_94, %masked_sort3A_66, %rev3A_93 : vector<16xi1>, vector<16xi32>
      %masked_sort3A_97 = arith.constant dense<true> : vector<16xi1>
      %masked_sort3A_98, %masked_sort3A_99, %masked_sort3A_100 = tpu.sort %select_n3A_95, %select_n3A_96 masked %masked_sort3A_97 {descending = true} : (vector<16xf32>, vector<16xi32>, vector<16xi1>) -> (vector<16xi1>, vector<16xf32>, vector<16xi32>)
      %reduce_max3A = arith.constant true
      %reduce_max3A_101 = vector.broadcast %reduce_max3A : i1 to vector<16xi1>
      %reduce_max3A_102 = tpu.scan <max>, %masked_sort3A_99 masked %reduce_max3A_101 : vector<16xf32>, vector<16xi1> -> vector<16xf32>
      %reduce_max3A_103 = vector.extract %reduce_max3A_102[15] : f32 from vector<16xf32>
      %sub3A = vector.broadcast %reduce_max3A_103 : f32 to vector<16xf32>
      %sub3A_104 = arith.subf %masked_sort3A_99, %sub3A : vector<16xf32>
      %exp3A = math.exp %sub3A_104 : vector<16xf32>
      %jit3A = arith.constant 0.000000e+00 : f32
      %broadcast_in_dim3A = vector.broadcast %jit3A : f32 to vector<16xf32>
      %select_n3A_105 = arith.select %lt3A_4, %exp3A, %broadcast_in_dim3A : vector<16xi1>, vector<16xf32>
      %reduce_sum3A = arith.constant true
      %reduce_sum3A_106 = vector.broadcast %reduce_sum3A : i1 to vector<16xi1>
      %reduce_sum3A_107 = tpu.scan <sum>, %select_n3A_105 masked %reduce_sum3A_106 : vector<16xf32>, vector<16xi1> -> vector<16xf32>
      %reduce_sum3A_108 = vector.extract %reduce_sum3A_107[15] : f32 from vector<16xf32>
      %mul3A_109 = arith.constant 8 : i32
      %mul3A_110 = arith.muli %scan3A_14, %mul3A_109 : i32
      %div3A = vector.broadcast %reduce_sum3A_108 : f32 to vector<16xf32>
      %div3A_111 = arith.divf %select_n3A_105, %div3A : vector<16xf32>
      %swap3A = arith.index_cast %mul3A_110 : i32 to index
      %swap3A_112 = tpu.vector_load %arg6[%swap3A] masked %lt3A_4 {strides = array<i32>} : memref<4104xf32, #tpu.memory_space<vmem>>, vector<16xf32>, vector<16xi1>
      tpu.vector_store %arg6[%swap3A], %div3A_111 masked %lt3A_4 {strides = array<i32>} : memref<4104xf32, #tpu.memory_space<vmem>>, vector<16xf32>, vector<16xi1>
      %mul3A_113 = arith.constant 8 : i32
      %mul3A_114 = arith.muli %scan3A_14, %mul3A_113 : i32
      %swap3A_115 = arith.index_cast %mul3A_114 : i32 to index
      %swap3A_116 = tpu.vector_load %arg7[%swap3A_115] masked %lt3A_4 {strides = array<i32>} : memref<4104xi32, #tpu.memory_space<vmem>>, vector<16xi32>, vector<16xi1>
      tpu.vector_store %arg7[%swap3A_115], %masked_sort3A_100 masked %lt3A_4 {strides = array<i32>} : memref<4104xi32, #tpu.memory_space<vmem>>, vector<16xi32>, vector<16xi1>
    }
    %scan3A_9 = arith.constant 512 : i32
    %mul3A_10 = arith.constant 8 : i32
    %mul3A_11 = arith.muli %mul3A_2, %mul3A_10 : i32
    "tpu.region"() ({
      %run_scoped3A = tpu.sem_alloc : memref<!tpu.dma_semaphore, #tpu.memory_space<semaphore_mem>>
      %dma_start3A = arith.constant 0 : i32
      %dma_start3A_14 = tpu.memref_slice %arg6[%dma_start3A] : memref<4104xf32, #tpu.memory_space<vmem>> -> memref<4096xf32, #tpu.memory_space<vmem>>
      %dma_start3A_15 = tpu.memref_slice %arg3[%mul3A_11] : memref<131072xf32, #tpu.memory_space<hbm>> -> memref<4096xf32, #tpu.memory_space<hbm>>
      %dma_start3A_16 = tpu.memref_slice %arg3[%mul3A_11] : memref<131072xf32, #tpu.memory_space<hbm>> -> memref<4096xf32, #tpu.memory_space<hbm>>
      %dma_start3A_17 = arith.constant 0 : i32
      %dma_start3A_18 = tpu.memref_slice %arg6[%dma_start3A_17] : memref<4104xf32, #tpu.memory_space<vmem>> -> memref<4096xf32, #tpu.memory_space<vmem>>
      tpu.enqueue_dma source(%dma_start3A_18 : memref<4096xf32, #tpu.memory_space<vmem>>) target(%dma_start3A_16 : memref<4096xf32, #tpu.memory_space<hbm>>) target_semaphore(%run_scoped3A : memref<!tpu.dma_semaphore, #tpu.memory_space<semaphore_mem>>)
      %dma_wait3A = arith.constant 0 : i32
      %dma_wait3A_19 = tpu.memref_slice %arg6[%dma_wait3A] : memref<4104xf32, #tpu.memory_space<vmem>> -> memref<4096xf32, #tpu.memory_space<vmem>>
      %dma_wait3A_20 = tpu.memref_slice %arg3[%mul3A_11] : memref<131072xf32, #tpu.memory_space<hbm>> -> memref<4096xf32, #tpu.memory_space<hbm>>
      %dma_wait3A_21 = tpu.memref_slice %arg3[%mul3A_11] : memref<131072xf32, #tpu.memory_space<hbm>> -> memref<4096xf32, #tpu.memory_space<hbm>>
      %dma_wait3A_22 = arith.constant 0 : i32
      %dma_wait3A_23 = tpu.memref_slice %arg6[%dma_wait3A_22] : memref<4104xf32, #tpu.memory_space<vmem>> -> memref<4096xf32, #tpu.memory_space<vmem>>
      tpu.wait_dma2 semaphore(%run_scoped3A : memref<!tpu.dma_semaphore, #tpu.memory_space<semaphore_mem>>) src(%dma_wait3A_23 : memref<4096xf32, #tpu.memory_space<vmem>>) dst(%dma_wait3A_21 : memref<4096xf32, #tpu.memory_space<hbm>>)
      tpu.yield
    }) : () -> ()
    %mul3A_12 = arith.constant 8 : i32
    %mul3A_13 = arith.muli %mul3A_2, %mul3A_12 : i32
    "tpu.region"() ({
      %run_scoped3A = tpu.sem_alloc : memref<!tpu.dma_semaphore, #tpu.memory_space<semaphore_mem>>
      %dma_start3A = arith.constant 0 : i32
      %dma_start3A_14 = tpu.memref_slice %arg7[%dma_start3A] : memref<4104xi32, #tpu.memory_space<vmem>> -> memref<4096xi32, #tpu.memory_space<vmem>>
      %dma_start3A_15 = tpu.memref_slice %arg4[%mul3A_13] : memref<131072xi32, #tpu.memory_space<hbm>> -> memref<4096xi32, #tpu.memory_space<hbm>>
      %dma_start3A_16 = tpu.memref_slice %arg4[%mul3A_13] : memref<131072xi32, #tpu.memory_space<hbm>> -> memref<4096xi32, #tpu.memory_space<hbm>>
      %dma_start3A_17 = arith.constant 0 : i32
      %dma_start3A_18 = tpu.memref_slice %arg7[%dma_start3A_17] : memref<4104xi32, #tpu.memory_space<vmem>> -> memref<4096xi32, #tpu.memory_space<vmem>>
      tpu.enqueue_dma source(%dma_start3A_18 : memref<4096xi32, #tpu.memory_space<vmem>>) target(%dma_start3A_16 : memref<4096xi32, #tpu.memory_space<hbm>>) target_semaphore(%run_scoped3A : memref<!tpu.dma_semaphore, #tpu.memory_space<semaphore_mem>>)
      %dma_wait3A = arith.constant 0 : i32
      %dma_wait3A_19 = tpu.memref_slice %arg7[%dma_wait3A] : memref<4104xi32, #tpu.memory_space<vmem>> -> memref<4096xi32, #tpu.memory_space<vmem>>
      %dma_wait3A_20 = tpu.memref_slice %arg4[%mul3A_13] : memref<131072xi32, #tpu.memory_space<hbm>> -> memref<4096xi32, #tpu.memory_space<hbm>>
      %dma_wait3A_21 = tpu.memref_slice %arg4[%mul3A_13] : memref<131072xi32, #tpu.memory_space<hbm>> -> memref<4096xi32, #tpu.memory_space<hbm>>
      %dma_wait3A_22 = arith.constant 0 : i32
      %dma_wait3A_23 = tpu.memref_slice %arg7[%dma_wait3A_22] : memref<4104xi32, #tpu.memory_space<vmem>> -> memref<4096xi32, #tpu.memory_space<vmem>>
      tpu.wait_dma2 semaphore(%run_scoped3A : memref<!tpu.dma_semaphore, #tpu.memory_space<semaphore_mem>>) src(%dma_wait3A_23 : memref<4096xi32, #tpu.memory_space<vmem>>) dst(%dma_wait3A_21 : memref<4096xi32, #tpu.memory_space<hbm>>)
      tpu.yield
    }) : () -> ()
    return
  }
}

module attributes {stable_mosaic.version = 14 : i64} {
  func.func @_matmul_body(%arg0: i32, %arg1: memref<1024x4096xf32, #tpu.memory_space<vmem>>, %arg2: memref<4096x64xf32, #tpu.memory_space<vmem>>, %arg3: memref<1x64xf32, #tpu.memory_space<vmem>>, %arg4: memref<1024x64xf32, #tpu.memory_space<vmem>>) attributes {dimension_semantics = [#tpu.dimension_semantics<arbitrary>], iteration_bounds = array<i64: 16>, scalar_prefetch = 0 : i64, scratch_operands = 0 : i64, tpu.core_type = #tpu.core_type<tc>, window_params = [{transform_indices = @transform_0, window_bounds = array<i64: 1024, 4096>}, {pipeline_mode = #tpu.pipeline_mode<synchronous>, transform_indices = @transform_1, window_bounds = array<i64: 4096, 64>}, {pipeline_mode = #tpu.pipeline_mode<synchronous>, transform_indices = @transform_2, window_bounds = array<i64: 1, 64>}, {transform_indices = @transform_3, window_bounds = array<i64: 1024, 64>}]} {
    %get3A = arith.constant 0 : index
    %get3A_0 = arith.constant 0 : index
    %get3A_1 = vector.load %arg1[%get3A, %get3A_0] : memref<1024x4096xf32, #tpu.memory_space<vmem>>, vector<1024x4096xf32>
    %get3A_2 = arith.constant 0 : index
    %get3A_3 = arith.constant 0 : index
    %get3A_4 = vector.load %arg2[%get3A_2, %get3A_3] : memref<4096x64xf32, #tpu.memory_space<vmem>>, vector<4096x64xf32>
    %dot_general3A = arith.constant dense<0.000000e+00> : vector<1024x64xf32>
    %dot_general3A_5 = tpu.matmul %get3A_1, %get3A_4, %dot_general3A {dimension_numbers = #tpu.dot_dimension_numbers<[1], [0], [0], [1], [0, 0, 1, 1], [], []>, transpose_lhs_hint = false} : vector<1024x4096xf32>, vector<4096x64xf32>, vector<1024x64xf32> -> vector<1024x64xf32>
    %get3A_6 = arith.constant 0 : index
    %get3A_7 = arith.constant 0 : index
    %get3A_8 = vector.load %arg3[%get3A_6, %get3A_7] : memref<1x64xf32, #tpu.memory_space<vmem>>, vector<1x64xf32>
    %add3A = vector.broadcast %get3A_8 : vector<1x64xf32> to vector<1024x64xf32>
    %add3A_9 = arith.addf %dot_general3A_5, %add3A : vector<1024x64xf32>
    %swap3A = arith.constant 0 : index
    %swap3A_10 = arith.constant 0 : index
    %swap3A_11 = vector.load %arg4[%swap3A, %swap3A_10] : memref<1024x64xf32, #tpu.memory_space<vmem>>, vector<1024x64xf32>
    tpu.vector_store %arg4[%swap3A, %swap3A_10], %add3A_9 {strides = array<i32>} : memref<1024x64xf32, #tpu.memory_space<vmem>>, vector<1024x64xf32>,
    return
  }
  func.func @transform_0(%arg0: i32) -> (i32, i32) {
    %c0_i32 = arith.constant 0 : i32
    %c0_i32_0 = arith.constant 0 : i32
    return %arg0, %c0_i32 : i32, i32
  }
  func.func @transform_1(%arg0: i32) -> (i32, i32) {
    %c0_i32 = arith.constant 0 : i32
    %c0_i32_0 = arith.constant 0 : i32
    %c0_i32_1 = arith.constant 0 : i32
    return %c0_i32, %c0_i32_0 : i32, i32
  }
  func.func @transform_2(%arg0: i32) -> (i32, i32) {
    %c0_i32 = arith.constant 0 : i32
    %c0_i32_0 = arith.constant 0 : i32
    %c0_i32_1 = arith.constant 0 : i32
    return %c0_i32, %c0_i32_0 : i32, i32
  }
  func.func @transform_3(%arg0: i32) -> (i32, i32) {
    %c0_i32 = arith.constant 0 : i32
    %c0_i32_0 = arith.constant 0 : i32
    return %arg0, %c0_i32 : i32, i32
  }
}

</mosaic_0001>

<sc_bundles>
// kernel: kernel.4.cloned.1.call-start
scs
__scs_entry_jumppad:
0x0: {  	(pc) =	sbr.rel $0x88, $3  }
0x1: {  	(tag) =	ssettag $0x0;
	lr =	simm.s32 $0x1  }
0x2: {  	[smem:$0x3F9E] =	sst lr;
	_ =	strace $0xD0000000  }
0x3: {  	_ = 	snop  }
0x4: {  	_ = 	snop  }
0x5: {  	_ = 	snop  }
0x6: {  	_ = 	snop  }
0x7: {  	_ = 	snop  }
__scs_overlays_trampoline_lowered:
0x8: {  	[smem:$0x3FAD] =	sst s0  }
0x9: {  	[smem:$0x3FAE] =	sst s1  }
0xa: {  	[smem:$0x3FAF] =	sst s2  }
0xb: {  	[smem:$0x3FB0] =	sst s3  }
0xc: {  	[smem:$0x3FB1] =	sst s4  }
0xd: {  	[smem:$0x3FB2] =	sst s5  }
0xe: {  	[smem:$0x3FB3] =	sst s6  }
0xf: {  	[smem:$0x3FB4] =	sst s7  }
0x10: {  	[smem:$0x3FB5] =	sst s8  }
0x11: {  	[smem:$0x3FB6] =	sst s9;
	s0 =	simm.s32 @!p0 $0x0  }
0x12: {  	s1 =	sld [smem:$0x3F9C];
	s0 =	simm.s32 @p0 $0x1  }
0x13: {  	[smem:$0x3FB7] =	sst s0;
	s0 =	simm.s32 @!p1 $0x0  }
0x14: {  	s2 =	sld [smem:$0x3F9B];
	s0 =	simm.s32 @p1 $0x1  }
0x15: {  	[smem:$0x3FB8] =	sst s0;
	s0 =	simm.s32 @!p2 $0x0  }
0x16: {  	s3 =	sld [smem:$0x3FDB];
	s0 =	simm.s32 @p2 $0x1  }
0x17: {  	s4 =	simm.s32 $0x1BF5;
	[smem:$0x3FBA] =	sst s0  }
0x18: {  	s0 =	sld [smem:$0x3F9D];
	_ =	swait.ge [sflag:s4], $0x0  }
0x19: {  	s7 =	sld [smem:$0x3F9E]  }
0x1a: {  	s8 =	sadd.s32 $0xFFFFE003, lr  }
0x1b: {  	s9 =	sadd.s32 $0xFFFFFEF7, lr;
	s5 =	simm.s32 $0xFFFFFFFF;
	p2 =	slt.u32 s8, $0xFFFFF086  }
0x1c: {  	p1 =	slt.u32 s9, $0xF7A;
	s5 =	simm.s32 @!p2 $0x0  }
0x1d: {  	s5 =	simm.s32 @p1 $0x1;
	p0 =	seq.s32 s7, s2  }
0x1e: {  	s7 =	smul.u32 @!p0 $0xF7A, s2;
	p2 =	seq.s32 @!p0 s5, $0x0  }
0x1f: {  	s9 =	smul.u32 $0xF7A, s1;
	s8 =	simm.s32 @!p0 $0x1BF5;
	p2 =	por !p2, p0  }
0x20: {  	[sflag:s8] =	ssyncset.s32 @!p0 $0xFFFFF086;
	s6 =	sadd.s32 @!p0 s3, s7;
	s7 =	simm.s32 @!p0 $0x108  }
0x21: {  	s3 =	sadd.s32 s3, s9;
	s6 =	sadd.s32 @!p0 $0x88, s6;
	s7 =	simm.s32 @p2 $0x1082  }
0x22: {  	[simem:s7], [sflag:s8] =	dma.local @!p0 [hbm:s6], $0xF7A  }
0x23: {  	s9 =	sor.u32 $0xD0000000, s2;
	s6 =	simm.s32 $0x108;
	_ =	swait.ge @!p0 [sflag:s8], $0x0  }
0x24: {  	s3 =	sadd.s32 $0x88, s3;
	s6 =	simm.s32 @!p1 $0x1082;
	[sflag:s4] =	ssyncset.s32 $0xFFFFF086  }
0x25: {  	[simem:s6], [sflag:s4] =	dma.local [hbm:s3], $0xF7A  }
0x26: {  	[smem:$0x3F9E] =	sst s1;
	(tag) =	ssettag s2;
	_ =	strace s9  }
0x27: {  	s1 =	sld [smem:$0x3FAE]  }
0x28: {  	s2 =	sld [smem:$0x3FAF]  }
0x29: {  	s4 =	sld [smem:$0x3FB1]  }
0x2a: {  	p0 =	seq.s32 s5, $0x0;
	s5 =	sld [smem:$0x3FB2]  }
0x2b: {  	s6 =	sld [smem:$0x3FB3]  }
0x2c: {  	s7 =	sld [smem:$0x3FB4]  }
0x2d: {  	s3 =	simm.s32 $0x108;
	s8 =	sld [smem:$0x3FB5]  }
0x2e: {  	s3 =	simm.s32 @!p0 $0x1082;
	s9 =	sld [smem:$0x3FB6]  }
0x2f: {  	lr =	sadd.s32 s0, s3;
	s0 =	sld [smem:$0x3FAD]  }
0x30: {  	s3 =	sld [smem:$0x3FB0]  }
0x31: {  	[smem:$0x3FB9] =	sst s10  }
0x32: {  	s10 =	sld [smem:$0x3FB7];
	_ =	sdelay $0x3  }
0x33: {  	p0 =	seq.s32 s10, $0x1;
	s10 =	sld [smem:$0x3FB9];
	_ =	sdelay $0x3  }
0x34: {  	[smem:$0x3FB9] =	sst s10  }
0x35: {  	s10 =	sld [smem:$0x3FB8];
	_ =	sdelay $0x3  }
0x36: {  	p1 =	seq.s32 s10, $0x1;
	s10 =	sld [smem:$0x3FB9];
	_ =	sdelay $0x3  }
0x37: {  	[smem:$0x3FB9] =	sst s10  }
0x38: {  	s10 =	sld [smem:$0x3FBA]  }
0x39: {  	_ = 	snop;
	(pc) =	sbr.ind lr, $3  }
0x3a: {  	_ = 	snop  }
0x3b: {  	_ = 	snop  }
0x3c: {  	p2 =	seq.s32 s10, $0x1;
	s10 =	sld [smem:$0x3FB9]  }
0x3d: {  	_ =	shalt  }
0x3e: {  	_ =	shalt  }
0x3f: {  	_ =	shalt  }
0x40: {  	_ =	shalt  }
0x41: {  	_ =	shalt  }
0x42: {  	_ =	shalt  }
0x43: {  	_ =	shalt  }
0x44: {  	_ =	shalt  }
0x45: {  	_ =	shalt  }
0x46: {  	_ =	shalt  }
0x47: {  	_ =	shalt  }
0x48: {  	_ =	shalt  }
0x49: {  	_ =	shalt  }
0x4a: {  	_ =	shalt  }
0x4b: {  	_ =	shalt  }
0x4c: {  	_ =	shalt  }
0x4d: {  	_ =	shalt  }
0x4e: {  	_ =	shalt  }
0x4f: {  	_ =	shalt  }
0x50: {  	_ =	shalt  }
0x51: {  	_ =	shalt  }
0x52: {  	_ =	shalt  }
0x53: {  	_ =	shalt  }
0x54: {  	_ =	shalt  }
0x55: {  	_ =	shalt  }
0x56: {  	_ =	shalt  }
0x57: {  	_ =	shalt  }
0x58: {  	_ =	shalt  }
0x59: {  	_ =	shalt  }
0x5a: {  	_ =	shalt  }
0x5b: {  	_ =	shalt  }
0x5c: {  	_ =	shalt  }
0x5d: {  	_ =	shalt  }
0x5e: {  	_ =	shalt  }
0x5f: {  	_ =	shalt  }
0x60: {  	_ =	shalt  }
0x61: {  	_ =	shalt  }
0x62: {  	_ =	shalt  }
0x63: {  	_ =	shalt  }
0x64: {  	_ =	shalt  }
0x65: {  	_ =	shalt  }
0x66: {  	_ =	shalt  }
0x67: {  	_ =	shalt  }
0x68: {  	_ =	shalt  }
0x69: {  	_ =	shalt  }
0x6a: {  	_ =	shalt  }
0x6b: {  	_ =	shalt  }
0x6c: {  	_ =	shalt  }
0x6d: {  	_ =	shalt  }
0x6e: {  	_ =	shalt  }
0x6f: {  	_ =	shalt  }
0x70: {  	_ =	shalt  }
0x71: {  	_ =	shalt  }
0x72: {  	_ =	shalt  }
0x73: {  	_ =	shalt  }
0x74: {  	_ =	shalt  }
0x75: {  	_ =	shalt  }
0x76: {  	_ =	shalt  }
0x77: {  	_ =	shalt  }
0x78: {  	_ =	shalt  }
0x79: {  	_ =	shalt  }
0x7a: {  	_ =	shalt  }
0x7b: {  	_ =	shalt  }
0x7c: {  	_ =	shalt  }
0x7d: {  	_ =	shalt  }
0x7e: {  	_ =	shalt  }
0x7f: {  	_ =	shalt  }
0x80: {  	_ =	shalt  }
0x81: {  	_ =	shalt  }
0x82: {  	_ =	shalt  }
0x83: {  	_ =	shalt  }
0x84: {  	_ =	shalt  }
0x85: {  	_ =	shalt  }
0x86: {  	_ =	shalt  }
0x87: {  	_ =	shalt  }
.Lfunc_end0:
.L_simem_size_0:
called_computation_lowered:
.L_overlay_start_0:
0x88: {  	s2 =	sld [smem:$0x3FD9]  }
0x89: {  	s3 =	sld [smem:$0x3FFE];
	_ =	sdelay $0x1  }
0x8a: {  	s1 =	srdreg.scid  }
0x8b: {  	s0 =	sand.u32 $0x1, s1  }
0x8c: {  	s14 =	sshll.u32 s0, $0xA;
	s2 =	sadd.s32 s3, s2  }
0x8d: {  	s2 =	sadd.s32 s2, s14  }
0x8e: {  	[smem:$0x3FC5] =	sst s2  }
0x8f: {  	_ = 	snop  }
0x90: {  	s2 =	sld [smem:$0x3FD0];
	_ =	sdelay $0x2  }
0x91: {  	s15 =	simm.s32 $0xA;
	s4 =	simm.s32 $0x10  }
0x92: {  	[smem:s4], [sflag:s15] =	dma.local [hbm:s2], $0x1  }
0x93: {  	_ =	swait.eq [sflag:s15], $0x1  }
0x94: {  	[sflag:s15] =	ssyncset.done $0x0  }
0x95: {  	[sflag:s15] =	ssyncadd.s32 $0xFFFFFFFF  }
0x96: {  	s16 =	sld [smem:$0x11];
	(tm) =	ssettm $0x1  }
0x97: {  	s17 =	sld [smem:$0x3FFB];
	_ =	sdelay $0x3  }
0x98: {  	_ =	strace s17  }
0x99: {  	s3 =	sld [smem:$0x3FFC];
	_ =	sdelay $0x3  }
0x9a: {  	_ =	strace s3  }
0x9b: {  	s3 =	sld [smem:$0x3FFD];
	_ =	sdelay $0x3  }
0x9c: {  	_ =	strace s3  }
0x9d: {  	_ =	strace $0x8FFFFFFF  }
0x9e: {  	s18 =	sld [smem:$0x3FDB];
	_ =	sdelay $0x1  }
0x9f: {  	s19 =	simm.s32 $_scs_section_size  }
0xa0: {  	s5 =	simm.s32 $_size__tile_overlayer_lowered;
	s6 =	simm.s32 $_tile_overlayer_lowered  }
0xa1: {  	s22 =	simm.s32 $0x1BFF;
	s21 =	sshll.u32 s6, $0x1;
	s3 =	sadd.s32 s19, s18  }
0xa2: {  	s7 =	simm.s32 $0x0;
	s20 =	sshll.u32 s5, $0x1;
	s5 =	sadd.s32 s21, s3  }
0xa3: {  	[timem:s7], [sflag:s22] =	dma.local [hbm:s5], s20  }
0xa4: {  	_ =	swait.ge [sflag:s22], s20  }
0xa5: {  	s4 =	ssub.s32 $0x0, s20;
	[sflag:s22] =	ssyncset.done $0x0  }
0xa6: {  	[sflag:s22] =	ssyncadd.s32 s4;
	_ =	sdelay $0x1  }
0xa7: {  	s23 =	simm.s32 $0x1B8B  }
0xa8: {  	_ =	swait.ge [sflag:s23], $0x1  }
0xa9: {  	[sflag:s23] =	ssyncset.done $0x0  }
0xaa: {  	s25 =	simm.s32 $0x1B8E;
	s24 =	sld [smem:$0x3FFE];
	[sflag:s23] =	ssyncadd.s32 $0xFFFFFFFF  }
0xab: {  	s26 =	simm.s32 $execute0_lowered;
	[smem:$0x3FD2] =	sst s25  }
0xac: {  	s5 =	sshll.u32 s26, $0x1;
	_ =	strace $0x80000046;
	[dreg:$0x1] =	wrdreg $0xFFFFFFFF  }
0xad: {  	s28 =	simm.s32 $_size_execute0_lowered;
	s3 =	sadd.s32 s3, s5;
	[dreg:$0x0] =	wrdreg $0x0  }
0xae: {  	s5 =	sshll.u32 s28, $0x1;
	[dreg:$0x2] =	wrdreg s3  }
0xaf: {  	[dreg:$0x3] =	wrdreg s5  }
0xb0: {  	[dreg:$0x4] =	wrdreg $0xC0  }
0xb1: {  	_ =	task [dreg:s7], $0x5FFFF  }
0xb2: {  	[dreg:$0x1] =	wrdreg $0xFFFFFFFF  }
0xb3: {  	[dreg:$0x0] =	wrdreg $0x60  }
0xb4: {  	[dreg:$0x2] =	wrdreg s24  }
0xb5: {  	[dreg:$0x3] =	wrdreg s16  }
0xb6: {  	[dreg:$0x4] =	wrdreg $0x9  }
0xb7: {  	_ =	task.clear_ibuf [dreg:s7], $0x5FFFF;
	_ =	strace $0x90000046  }
0xb8: {  	s29 =	simm.s32 $0x9;
	_ =	strace $0x80000048  }
0xb9: {  	_ =	swait.ge [sflag:s29], $0x1  }
0xba: {  	[sflag:s29] =	ssyncadd.s32 $0xFFFFFFFF  }
0xbb: {  	_ =	strace $0x90000048  }
0xbc: {  	_ =	sfence  }
0xbd: {  	s30 =	sld [smem:$0x0];
	_ =	sdelay $0x2  }
0xbe: {  	s31 =	sshll.u32 s1, $0xD;
	s1 =	sshrl.u32 s1, $0x2  }
0xbf: {  	s3 =	sand.u32 $0x4000, s31;
	s1 =	sadd.s32 s1, s30  }
0xc0: {  	s0 =	sor.u32 s3, s0;
	s1 =	sshll.u32 s1, $0x11  }
0xc1: {  	s0 =	sor.u32 s1, s0  }
0xc2: {  	s0 =	sadd.s32 $0x8F2B, s0  }
0xc3: {  	[sflag:s0] =	ssyncadd.remote.s32 $0x1  }
0xc4: {  	_ =	sfence.sel $0xFFFF  }
0xc5: {  	[dreg:$0x0] =	wrdreg $0xFFFFFFFF;
	(pc) =	sbr.abs _section_cstart, $3  }
0xc6: {  	[dreg:$0x1] =	wrdreg $0xFFFFFFFF  }
0xc7: {  	_ =	task.clear_ibuf [dreg:s7], $0x2FFFF;
	_ =	strace $0x9FFFFFFF  }
0xc8: {  	(tm) =	ssettm $0x7FFFFFFF  }
0xc9: {  	_ =	shalt  }
tec
execute0_lowered:
.L_overlay_start_1:
0x0: {  	(tag) =	ssettag $0x1  }
0x1: {  	s3 =	rddreg [dreg:$0x0]  }
0x2: {  	s4 =	rddreg [dreg:$0x1]  }
0x3: {  	s0 =	rddreg [dreg:$0x2]  }
0x4: {  	s5 =	srdreg.scid;
	s1 =	stileid.u32  }
0x5: {  	s2 =	simm.s32 $0x0;
	s5 =	sand.u32 $0x1, s5;
	s6 =	sshll.u32 s1, $0x1  }
0x6: {  	s10 =	simm.s32 $0x0;
	[smem:$0x7FF] =	sst s2;
	s6 =	sor.u32 s5, s6  }
0x7: {  	_ =	strace $0x80000047;
	s5 =	ssub.s32 $0x2, s5;
	s7 =	sshll.u32 s6, $0xD  }
0x8: {  	v0 =	vlaneseq.u32;
	s6 =	sshll.u32 s6, $0x9;
	s31 =	sshrl.u32 s5, $0x1;
	s7 =	sadd.s32 s7, s3  }
0x9: {  	v4 =	vmul.u32 $0xFFFFFFFF, v0;
	s8 =	sadd.s32 s6, s3;
	s9 =	ssub.s32 s5, s31;
	s4 =	sadd.s32 s4, s6  }
0xa: {  	vm0 =	vmmov $0xff;
	v1 =	vor.u32 $0x10, v0;
	s3 =	sadd.s32 $0xE00, s7;
	s5 =	sadd.s32 $0x40E00, s8;
	s6 =	smax.u32 s9, $0x1  }
0xb: {  	v2 =	vor.u32 $0x20, v0;
	v3 =	vor.u32 $0x30, v0;
	v4 =	vadd.s32 $0xF, v4;
	s7 =	simm.s32 $0x1;
	s8 =	simm.s32 $0x10000;
	s9 =	simm.s32 $0x11080  }
.LBB2_1:
0xc: {  	[tilespmem:s2], [sflag:$0x1] =	stream.linear.gather [hbm4b:s3+s2], $0x10000, $0x38;
	[tilespmem:$0x12100] =	vst v63  }
0xd: {  	_ =	swait.ge [sflag:s7], $0x10000  }
0xe: {  	[sflag:s7] =	ssyncset.done $0x0  }
0xf: {  	s12 =	simm.s32 $0x20;
	[sflag:s7] =	ssyncadd.s32 $0xFFFF0000  }
0x10: {  	s13 =	simm.s32 $0x20;
	s11 =	simm.s32 $0x0;
	v5 =	vld [tilespmem:s12+$0x10]  }
.LBB2_2:
0x11: {  	p0 =	sne.s32 s13, $0x3FE0;
	v6 =	vld [tilespmem:s12+$0x0]  }
0x12: {  	v7 =	vld [tilespmem:s12+$0xFFFFFFF0];
	_ =	sdelay $0x1  }
0x13: {  	v8 =	vld [tilespmem:s12+$0xFFFFFFE0]  }
0x14: {  	(xrf1) =	vsort.dscd.msk.f32 $0xffff, v5, v3  }
0x15: {  	(xrf1) =	vsort.dscd.msk.f32 $0xffff, v6, v2  }
0x16: {  	(xrf1) =	vsort.dscd.msk.f32 $0xffff, v7, v1;
	_ =	sdelay $0x1  }
0x17: {  	(xrf1) =	vsort.dscd.msk.f32 $0xffff, v8, v0;
	_ =	sdelay $0x9  }
0x18: {  	v5, v6, _ =	vpop (xrf1)  }
0x19: {  	v5 =	vperm.xlane v5, v4;
	v7, v8, _ =	vpop (xrf1)  }
0x1a: {  	v6 =	vperm.xlane v6, v4;
	v9, v10, _ =	vpop (xrf1)  }
0x1b: {  	v9 =	vperm.xlane v9, v4;
	vm1 =	vge.f32 v7, v5  }
0x1c: {  	v10 =	vperm.xlane v10, v4;
	v5 =	vsel vm1, v7, v5;
	v6 =	vsel vm1, v8, v6;
	v7, v8, _ =	vpop (xrf1)  }
0x1d: {  	vm1 =	vge.f32 v7, v9;
	(xrf1) =	vsort.dscd.msk.f32 $0xffff, v5, v6  }
0x1e: {  	v5 =	vsel vm1, v7, v9;
	v6 =	vsel vm1, v8, v10  }
0x1f: {  	(xrf1) =	vsort.dscd.msk.f32 $0xffff, v5, v6;
	_ =	sdelay $0xb  }
0x20: {  	v5, v6, _ =	vpop (xrf1)  }
0x21: {  	v5 =	vperm.xlane v5, v4  }
0x22: {  	v6 =	vperm.xlane v6, v4;
	v7, v8, _ =	vpop (xrf1)  }
0x23: {  	vm1 =	vge.f32 v7, v5  }
0x24: {  	v5 =	vsel vm1, v7, v5;
	v6 =	vsel vm1, v8, v6  }
0x25: {  	(xrf1) =	vsort.dscd.msk.f32 $0xffff, v5, v6;
	_ =	sdelay $0xd  }
0x26: {  	s14 =	sshra.s32 s11, $0x2;
	s11 =	smov.u32 s13;
	v5, v6, _ =	vpop (xrf1)  }
0x27: {  	[tilespmem:s14+$0x11080] =	vst.msk $0xff, v6;
	(xrf0) =	vmax.scan.msk.f32 $0xffff, v5;
	_ =	sdelay $0x5  }
0x28: {  	v6, _, _ =	vpop (xrf0)  }
0x29: {  	v6 =	vbroadcast v6, $0xF;
	_ =	sdelay $0x1  }
0x2a: {  	v5 =	vsub.f32 v5, v6;
	_ =	sdelay $0x1  }
0x2b: {  	v5 =	vmul.f32 $1.442695020e+00, v5;
	_ =	sdelay $0x1  }
0x2c: {  	(erf) = vpow2.f32 v5;
	_ =	sdelay $0x8  }
0x2d: {  	v5 =	vpop (erf)  }
0x2e: {  	v5 =	vnsel vm0, $0x0, v5  }
0x2f: {  	(xrf2) =	vadd.scan.msk.f32 $0xffff, v5;
	_ =	sdelay $0x9  }
0x30: {  	v6, _, _ =	vpop (xrf2)  }
0x31: {  	v6 =	vbroadcast v6, $0xF;
	_ =	sdelay $0x1  }
0x32: {  	(erf) = vrcp.f32 v6;
	_ =	sdelay $0x8  }
.Ltmp0:
0x33: {  	v6 =	vpop (erf);
	(pc) =	sbr.rel @p0 .LBB2_2-.Ltmp0, $3  }
0x34: {  	v5 =	vmul.f32 v6, v5;
	_ =	sdelay $0x1  }
0x35: {  	s12 =	sadd.s32 $0x80, s12;
	[tilespmem:s14+$0x10000] =	vst.msk $0xff, v5  }
0x36: {  	s13 =	sadd.s32 $0x20, s13;
	v5 =	vld [tilespmem:s12+$0x10]  }
0x37: {  	v6 =	vld [tilespmem:s12+$0x0]  }
0x38: {  	v7 =	vld [tilespmem:s12+$0xFFFFFFF0];
	_ =	sdelay $0x1  }
0x39: {  	v8 =	vld [tilespmem:s12+$0xFFFFFFE0]  }
0x3a: {  	(xrf1) =	vsort.dscd.msk.f32 $0xffff, v5, v3  }
0x3b: {  	(xrf1) =	vsort.dscd.msk.f32 $0xffff, v6, v2  }
0x3c: {  	(xrf1) =	vsort.dscd.msk.f32 $0xffff, v7, v1;
	_ =	sdelay $0x1  }
0x3d: {  	(xrf1) =	vsort.dscd.msk.f32 $0xffff, v8, v0;
	_ =	sdelay $0x9  }
0x3e: {  	v5, v6, _ =	vpop (xrf1)  }
0x3f: {  	v5 =	vperm.xlane v5, v4;
	v7, v61, _ =	vpop (xrf1)  }
0x40: {  	v6 =	vperm.xlane v6, v4;
	v9, v10, _ =	vpop (xrf1)  }
0x41: {  	v9 =	vperm.xlane v9, v4;
	vm1 =	vge.f32 v7, v5  }
0x42: {  	v10 =	vperm.xlane v10, v4;
	v5 =	vsel vm1, v7, v5;
	v6 =	vsel vm1, v61, v6;
	v7, v62, _ =	vpop (xrf1)  }
0x43: {  	vm1 =	vge.f32 v7, v9;
	(xrf1) =	vsort.dscd.msk.f32 $0xffff, v5, v6  }
0x44: {  	v5 =	vsel vm1, v7, v9;
	v6 =	vsel vm1, v62, v10  }
0x45: {  	(xrf1) =	vsort.dscd.msk.f32 $0xffff, v5, v6;
	_ =	sdelay $0xb  }
0x46: {  	v5, v6, _ =	vpop (xrf1)  }
0x47: {  	v5 =	vperm.xlane v5, v4  }
0x48: {  	v6 =	vperm.xlane v6, v4;
	v7, v63, _ =	vpop (xrf1)  }
0x49: {  	vm1 =	vge.f32 v7, v5  }
0x4a: {  	v5 =	vsel vm1, v7, v5;
	v6 =	vsel vm1, v63, v6  }
0x4b: {  	(xrf1) =	vsort.dscd.msk.f32 $0xffff, v5, v6;
	_ =	sdelay $0xd  }
0x4c: {  	v5, v6, _ =	vpop (xrf1)  }
0x4d: {  	(xrf0) =	vmax.scan.msk.f32 $0xffff, v5;
	_ =	sdelay $0x5  }
0x4e: {  	v7, _, _ =	vpop (xrf0)  }
0x4f: {  	v7 =	vbroadcast v7, $0xF;
	_ =	sdelay $0x1  }
0x50: {  	v5 =	vsub.f32 v5, v7;
	_ =	sdelay $0x1  }
0x51: {  	v5 =	vmul.f32 $1.442695020e+00, v5;
	_ =	sdelay $0x1  }
0x52: {  	(erf) = vpow2.f32 v5;
	_ =	sdelay $0x8  }
0x53: {  	v5 =	vpop (erf)  }
0x54: {  	v5 =	vnsel vm0, $0x0, v5  }
0x55: {  	(xrf2) =	vadd.scan.msk.f32 $0xffff, v5;
	_ =	sdelay $0x9  }
0x56: {  	v7, _, _ =	vpop (xrf2)  }
0x57: {  	v7 =	vbroadcast v7, $0xF;
	_ =	sdelay $0x1  }
0x58: {  	(erf) = vrcp.f32 v7;
	_ =	sdelay $0x8  }
0x59: {  	v7 =	vpop (erf)  }
0x5a: {  	s11 =	sshra.s32 s11, $0x2;
	v5 =	vmul.f32 v7, v5  }
0x5b: {  	[tilespmem:s11+$0x11080] =	vst.msk $0xff, v6  }
0x5c: {  	[tilespmem:s11+$0x10000] =	vst.msk $0xff, v5  }
0x5d: {  	[hbm4b:s4+s2] =	stream.linear.scatter [tilespmem:s8], [sflag:$0x1], $0x1000, $0x38;
	[tilespmem:$0x12100] =	vst v63  }
0x5e: {  	s10 =	sadd.s32 $0x1, s10;
	_ =	swait.ge [sflag:s7], $0x1000  }
0x5f: {  	p0 =	sne.s32 s10, s6;
	[sflag:s7] =	ssyncset.done $0x0  }
.Ltmp1:
0x60: {  	[sflag:s7] =	ssyncadd.s32 $0xFFFFF000;
	(pc) =	sbr.rel @p0 .LBB2_1-.Ltmp1, $4  }
0x61: {  	[hbm4b:s5+s2] =	stream.linear.scatter [tilespmem:s9], [sflag:$0x1], $0x1000, $0x38;
	[tilespmem:$0x12100] =	vst v63  }
0x62: {  	_ =	swait.ge [sflag:s7], $0x1000  }
0x63: {  	[sflag:s7] =	ssyncset.done $0x0  }
0x64: {  	[sflag:s7] =	ssyncadd.s32 $0xFFFFF000  }
0x65: {  	_ =	sfence.sel $0x180000  }
0x66: {  	[bflag:$0x0] =	sbarrier.arrive $0xFFFF  }
0x67: {  	p0 =	sne.s32 s1, $0x0;
	_ =	strace $0x90000047  }
0x68: {  	s0 =	sadd.s32 @!p0 $0x100000, s0;
	[bflag:$0x2] =	sbarrier.arrive $0xFFFF  }
0x69: {  	[sflag:s0] =	ssyncadd.tile.s32 @!p0 $0x1;
	_ =	shalt  }
.Lfunc_end2:
_tile_overlayer_lowered:
.L_overlay_start_2:
0x6a: {  	(tag) =	ssettag $0x2  }
0x6b: {  	s0 =	rddreg [dreg:$0x0];
	s2 =	stileid.u32  }
0x6c: {  	s1 =	rddreg [dreg:$0x1];
	p0 =	sne.s32 s2, $0x0  }
0x6d: {  	s3 =	rddreg [dreg:$0x2];
	[bflag:$0x3] =	sbarrier.arrive $0xFFFF;
	s2 =	simm.s32 @!p0 $0x1C01  }
0x6e: {  	[timem:s3], [sflag:s2] =	dma.local @!p0 [hbm:s0], s1  }
0x6f: {  	s0 =	simm.s32 @!p0 $0x1  }
0x70: {  	_ =	swait.ge @!p0 [sflag:s0], s1  }
0x71: {  	s1 =	ssub.s32 @!p0 $0x0, s1;
	[sflag:s0] =	ssyncset.done @!p0 $0x0  }
0x72: {  	[sflag:s0] =	ssyncadd.s32 @!p0 s1  }
0x73: {  	[bflag:$0x3] =	sbarrier.arrive $0xFFFF  }
0x74: {  	_ =	shalt  }

</sc_bundles>
